<compile_context>
chip_gen: v7x
topology: tpu7x:2x2x1
jax: 0.10.2.dev20260603
libtpu: 0.0.44.dev20260713+nightly
codegen_flags: <defaults>
</compile_context>

<pallas_src>
import functools

import jax
import jax.numpy as jnp
from jax import lax
from jax.experimental import pallas as pl
from jax.experimental.pallas import tpu as pltpu
from jax.experimental.pallas import tpu_sc as plsc

_INFO = plsc.get_sparse_core_info()
_NC, _NS, _L = _INFO.num_cores, _INFO.num_subcores, _INFO.num_lanes
_NW = _NC * _NS
_NBUF = 2


def _make_lookup(n_rows: int, n_cols: int, n_values: int, chunk_rows: int):
    cols_per_w = n_cols // _NW
    assert cols_per_w * _NW == n_cols and cols_per_w % 128 == 0
    n_chunks = n_rows // chunk_rows
    assert n_chunks * chunk_rows == n_rows and n_chunks >= _NBUF
    assert chunk_rows % 8 == 0
    kpr = cols_per_w // _L
    assert kpr & (kpr - 1) == 0
    kb = kpr.bit_length() - 1
    mesh = plsc.VectorSubcoreMesh(core_axis_name="c", subcore_axis_name="s")
    n_pad = 16 * ((n_values + 15) // 16)

    @functools.partial(
        pl.kernel,
        mesh=mesh,
        out_type=jax.ShapeDtypeStruct((n_rows, n_cols), jnp.float32),
        scratch_types=[
            pltpu.VMEM((n_pad,), jnp.float32),
            pltpu.VMEM((_NBUF, chunk_rows, cols_per_w), jnp.int32),
            pltpu.VMEM((_NBUF, chunk_rows, cols_per_w), jnp.float32),
            pltpu.SemaphoreType.DMA((_NBUF,)),
            pltpu.SemaphoreType.DMA((_NBUF,)),
        ],
        compiler_params=pltpu.CompilerParams(needs_layout_passes=False),
    )
    def lookup(values_hbm, idx_hbm, out_hbm, table_v, idx_v, out_v, isem, osem):
        wid = lax.axis_index("s") * _NC + lax.axis_index("c")
        cols = pl.ds(wid * cols_per_w, cols_per_w)

        for b in range(_NBUF):
            pltpu.async_copy(
                idx_hbm.at[pl.ds(b * chunk_rows, chunk_rows), cols],
                idx_v.at[b],
                isem.at[b],
            )
        pltpu.sync_copy(values_hbm, table_v.at[pl.ds(0, n_values)])

        @pl.loop(0, n_chunks)
        def _chunk(g):
            b = g & (_NBUF - 1)
            rows = pl.ds(g * chunk_rows, chunk_rows)
            pltpu.make_async_copy(
                idx_hbm.at[rows, cols], idx_v.at[b], isem.at[b]
            ).wait()

            @pl.when(g >= _NBUF)
            def _():
                pltpu.make_async_copy(
                    out_v.at[b], out_hbm.at[rows, cols], osem.at[b]
                ).wait()

            @plsc.parallel_loop(0, chunk_rows * kpr, unroll=16)
            def _vec(i):
                r = i >> kb
                c = (i & (kpr - 1)) * _L
                iv = idx_v[b, r, pl.ds(c, _L)]
                out_v[b, r, pl.ds(c, _L)] = plsc.load_gather(table_v, [iv])

            pltpu.async_copy(out_v.at[b], out_hbm.at[rows, cols], osem.at[b])

            @pl.when(g + _NBUF < n_chunks)
            def _():
                nxt = pl.ds((g + _NBUF) * chunk_rows, chunk_rows)
                pltpu.async_copy(idx_hbm.at[nxt, cols], idx_v.at[b], isem.at[b])

        for g in range(n_chunks - _NBUF, n_chunks):
            rows = pl.ds(g * chunk_rows, chunk_rows)
            pltpu.make_async_copy(
                out_v.at[g & (_NBUF - 1)], out_hbm.at[rows, cols],
                osem.at[g & (_NBUF - 1)],
            ).wait()

    return lookup


def kernel(values, index):
    n_rows, n_cols = index.shape
    idx_t = index.T
    lookup = _make_lookup(n_cols, n_rows, values.shape[0], chunk_rows=40)
    out_t = lookup(values, idx_t)
    return out_t.T

# --- scband reference (transcript-rebuilt; emitter-appended) ---
"""Pipeline reference for scband-index-value-8134668059088 (READ-ONLY COPY).

The authoritative reference and input builder live on the scoring server;
editing this copy changes nothing except your own understanding.
"""

import jax, jax.numpy as jnp
import numpy as np


def setup_inputs(seed: int = 0) -> dict:
    key = jax.random.key(seed)
    index = jax.random.randint(key, (16384, 200), 0, 64, dtype=jnp.int32)
    values = jnp.arange(64, dtype=jnp.float32) * 0.1
    return {"values": values, "index": index}


def reference(values, index):
    # Faithful translation of IndexValue.batch_compute: per-value masked fill.
    n_structure, n_atoms = index.shape
    idx_flat = index.reshape(-1)
    output = jnp.zeros((n_structure * n_atoms,), dtype=values.dtype)
    for i in range(values.shape[0]):
        mask = idx_flat == i
        output = jnp.where(mask, values[i], output)
    return output.reshape(n_structure, n_atoms)

if __name__ == "__main__":
    import jax
    _d = setup_inputs()
    print(jax.jit(kernel)(*tuple(_d.values())))

</pallas_src>

<mosaic_0001>
#map = affine_map<(d0, d1) -> (0)>
#map1 = affine_map<(d0, d1) -> (0, 0)>
module attributes {stable_mosaic.version = 14 : i64} {
  func.func @lookup(%arg0: i32, %arg1: i32, %arg2: memref<64xf32, #tpu.memory_space<hbm>>, %arg3: memref<200x16384xi32, #tpu.memory_space<hbm>>, %arg4: memref<200x16384xf32, #tpu.memory_space<hbm>>, %arg5: memref<64xf32, #tpu.memory_space<vmem>>, %arg6: memref<2x40x512xi32, #tpu.memory_space<vmem>>, %arg7: memref<2x40x512xf32, #tpu.memory_space<vmem>>, %arg8: memref<2x!tpu.dma_semaphore, #tpu.memory_space<semaphore_mem>>, %arg9: memref<2x!tpu.dma_semaphore, #tpu.memory_space<semaphore_mem>>) attributes {dimension_semantics = [#tpu.dimension_semantics<core_parallel>, #tpu.dimension_semantics<subcore_parallel>], iteration_bounds = array<i64: 2, 16>, scalar_prefetch = 0 : i64, scratch_operands = 5 : i64, tpu.core_type = #tpu.core_type<sc_vector_subcore>, window_params = [{transform_indices = #map}, {transform_indices = #map1}, {transform_indices = #map1}]} {
    %mul3A = arith.constant 2 : i32
    %mul3A_0 = arith.muli %arg1, %mul3A : i32
    %add3A = arith.addi %mul3A_0, %arg0 : i32
    %mul3A_1 = arith.constant 512 : i32
    %mul3A_2 = arith.muli %add3A, %mul3A_1 : i32
    %dma_start3A = arith.constant 0 : i32
    %dma_start3A_3 = arith.constant 0 : i32
    %dma_start3A_4 = arith.constant 0 : i32
    %dma_start3A_5 = arith.constant 0 : i32
    %dma_start3A_6 = tpu.memref_slice %arg6[%dma_start3A, %dma_start3A_4, %dma_start3A_5] : memref<2x40x512xi32, #tpu.memory_space<vmem>> -> memref<1x40x512xi32, #tpu.memory_space<vmem>>
    %dma_start3A_7 = tpu.memref_squeeze %dma_start3A_6 : memref<1x40x512xi32, #tpu.memory_space<vmem>> -> memref<40x512xi32, #tpu.memory_space<vmem>>
    %dma_start3A_8 = arith.constant 0 : i32
    %dma_start3A_9 = tpu.memref_slice %arg3[%dma_start3A_8, %mul3A_2] : memref<200x16384xi32, #tpu.memory_space<hbm>> -> memref<40x512xi32, #tpu.memory_space<hbm>>
    %dma_start3A_10 = tpu.memref_slice %arg8[%dma_start3A_3] : memref<2x!tpu.dma_semaphore, #tpu.memory_space<semaphore_mem>> -> memref<1x!tpu.dma_semaphore, #tpu.memory_space<semaphore_mem>>
    %dma_start3A_11 = tpu.memref_squeeze %dma_start3A_10 : memref<1x!tpu.dma_semaphore, #tpu.memory_space<semaphore_mem>> -> memref<!tpu.dma_semaphore, #tpu.memory_space<semaphore_mem>>
    %dma_start3A_12 = arith.constant 0 : i32
    %dma_start3A_13 = arith.constant 0 : i32
    %dma_start3A_14 = tpu.memref_slice %arg6[%dma_start3A, %dma_start3A_12, %dma_start3A_13] : memref<2x40x512xi32, #tpu.memory_space<vmem>> -> memref<1x40x512xi32, #tpu.memory_space<vmem>>
    %dma_start3A_15 = tpu.memref_squeeze %dma_start3A_14 : memref<1x40x512xi32, #tpu.memory_space<vmem>> -> memref<40x512xi32, #tpu.memory_space<vmem>>
    %dma_start3A_16 = arith.constant 0 : i32
    %dma_start3A_17 = tpu.memref_slice %arg3[%dma_start3A_16, %mul3A_2] : memref<200x16384xi32, #tpu.memory_space<hbm>> -> memref<40x512xi32, #tpu.memory_space<hbm>>
    tpu.enqueue_dma source(%dma_start3A_17 : memref<40x512xi32, #tpu.memory_space<hbm>>) target(%dma_start3A_15 : memref<40x512xi32, #tpu.memory_space<vmem>>) target_semaphore(%dma_start3A_11 : memref<!tpu.dma_semaphore, #tpu.memory_space<semaphore_mem>>)
    %dma_start3A_18 = arith.constant 1 : i32
    %dma_start3A_19 = arith.constant 1 : i32
    %dma_start3A_20 = arith.constant 0 : i32
    %dma_start3A_21 = arith.constant 0 : i32
    %dma_start3A_22 = tpu.memref_slice %arg6[%dma_start3A_18, %dma_start3A_20, %dma_start3A_21] : memref<2x40x512xi32, #tpu.memory_space<vmem>> -> memref<1x40x512xi32, #tpu.memory_space<vmem>>
    %dma_start3A_23 = tpu.memref_squeeze %dma_start3A_22 : memref<1x40x512xi32, #tpu.memory_space<vmem>> -> memref<40x512xi32, #tpu.memory_space<vmem>>
    %dma_start3A_24 = arith.constant 40 : i32
    %dma_start3A_25 = tpu.memref_slice %arg3[%dma_start3A_24, %mul3A_2] : memref<200x16384xi32, #tpu.memory_space<hbm>> -> memref<40x512xi32, #tpu.memory_space<hbm>>
    %dma_start3A_26 = tpu.memref_slice %arg8[%dma_start3A_19] : memref<2x!tpu.dma_semaphore, #tpu.memory_space<semaphore_mem>> -> memref<1x!tpu.dma_semaphore, #tpu.memory_space<semaphore_mem>>
    %dma_start3A_27 = tpu.memref_squeeze %dma_start3A_26 : memref<1x!tpu.dma_semaphore, #tpu.memory_space<semaphore_mem>> -> memref<!tpu.dma_semaphore, #tpu.memory_space<semaphore_mem>>
    %dma_start3A_28 = arith.constant 0 : i32
    %dma_start3A_29 = arith.constant 0 : i32
    %dma_start3A_30 = tpu.memref_slice %arg6[%dma_start3A_18, %dma_start3A_28, %dma_start3A_29] : memref<2x40x512xi32, #tpu.memory_space<vmem>> -> memref<1x40x512xi32, #tpu.memory_space<vmem>>
    %dma_start3A_31 = tpu.memref_squeeze %dma_start3A_30 : memref<1x40x512xi32, #tpu.memory_space<vmem>> -> memref<40x512xi32, #tpu.memory_space<vmem>>
    %dma_start3A_32 = arith.constant 40 : i32
    %dma_start3A_33 = tpu.memref_slice %arg3[%dma_start3A_32, %mul3A_2] : memref<200x16384xi32, #tpu.memory_space<hbm>> -> memref<40x512xi32, #tpu.memory_space<hbm>>
    tpu.enqueue_dma source(%dma_start3A_33 : memref<40x512xi32, #tpu.memory_space<hbm>>) target(%dma_start3A_31 : memref<40x512xi32, #tpu.memory_space<vmem>>) target_semaphore(%dma_start3A_27 : memref<!tpu.dma_semaphore, #tpu.memory_space<semaphore_mem>>)
    "tpu.region"() ({
      %run_scoped3A = tpu.sem_alloc : memref<!tpu.dma_semaphore, #tpu.memory_space<semaphore_mem>>
      %dma_start3A_69 = arith.constant 0 : i32
      %dma_start3A_70 = tpu.memref_slice %arg5[%dma_start3A_69] : memref<64xf32, #tpu.memory_space<vmem>> -> memref<64xf32, #tpu.memory_space<vmem>>
      %dma_start3A_71 = arith.constant 0 : i32
      %dma_start3A_72 = tpu.memref_slice %arg5[%dma_start3A_71] : memref<64xf32, #tpu.memory_space<vmem>> -> memref<64xf32, #tpu.memory_space<vmem>>
      tpu.enqueue_dma source(%arg2 : memref<64xf32, #tpu.memory_space<hbm>>) target(%dma_start3A_72 : memref<64xf32, #tpu.memory_space<vmem>>) target_semaphore(%run_scoped3A : memref<!tpu.dma_semaphore, #tpu.memory_space<semaphore_mem>>)
      %dma_wait3A_73 = arith.constant 0 : i32
      %dma_wait3A_74 = tpu.memref_slice %arg5[%dma_wait3A_73] : memref<64xf32, #tpu.memory_space<vmem>> -> memref<64xf32, #tpu.memory_space<vmem>>
      %dma_wait3A_75 = arith.constant 0 : i32
      %dma_wait3A_76 = tpu.memref_slice %arg5[%dma_wait3A_75] : memref<64xf32, #tpu.memory_space<vmem>> -> memref<64xf32, #tpu.memory_space<vmem>>
      tpu.wait_dma2 semaphore(%run_scoped3A : memref<!tpu.dma_semaphore, #tpu.memory_space<semaphore_mem>>) src(%arg2 : memref<64xf32, #tpu.memory_space<hbm>>) dst(%dma_wait3A_76 : memref<64xf32, #tpu.memory_space<vmem>>)
      tpu.yield
    }) : () -> ()
    %scan3A = arith.constant 0 : i32
    %scan3A_34 = arith.constant 5 : i32
    %scan3A_35 = arith.addi %scan3A, %scan3A_34 : i32
    %scan3A_36 = arith.constant 1 : i32
    scf.for %scan3A_69 = %scan3A to %scan3A_35 step %scan3A_36  : i32 {
      %mul3A_70 = arith.constant 1 : i32
      %mul3A_71 = arith.muli %scan3A_69, %mul3A_70 : i32
      %add3A_72 = arith.constant 0 : i32
      %add3A_73 = arith.addi %add3A_72, %mul3A_71 : i32
      %and3A = arith.constant 1 : i32
      %and3A_74 = arith.andi %add3A_73, %and3A : i32
      %mul3A_75 = arith.constant 40 : i32
      %mul3A_76 = arith.muli %add3A_73, %mul3A_75 : i32
      %dma_wait3A_77 = arith.constant 0 : i32
      %dma_wait3A_78 = arith.constant 0 : i32
      %dma_wait3A_79 = tpu.memref_slice %arg6[%and3A_74, %dma_wait3A_77, %dma_wait3A_78] : memref<2x40x512xi32, #tpu.memory_space<vmem>> -> memref<1x40x512xi32, #tpu.memory_space<vmem>>
      %dma_wait3A_80 = tpu.memref_squeeze %dma_wait3A_79 : memref<1x40x512xi32, #tpu.memory_space<vmem>> -> memref<40x512xi32, #tpu.memory_space<vmem>>
      %dma_wait3A_81 = tpu.memref_slice %arg3[%mul3A_76, %mul3A_2] : memref<200x16384xi32, #tpu.memory_space<hbm>> -> memref<40x512xi32, #tpu.memory_space<hbm>>
      %dma_wait3A_82 = tpu.memref_slice %arg8[%and3A_74] : memref<2x!tpu.dma_semaphore, #tpu.memory_space<semaphore_mem>> -> memref<1x!tpu.dma_semaphore, #tpu.memory_space<semaphore_mem>>
      %dma_wait3A_83 = tpu.memref_squeeze %dma_wait3A_82 : memref<1x!tpu.dma_semaphore, #tpu.memory_space<semaphore_mem>> -> memref<!tpu.dma_semaphore, #tpu.memory_space<semaphore_mem>>
      %dma_wait3A_84 = arith.constant 0 : i32
      %dma_wait3A_85 = arith.constant 0 : i32
      %dma_wait3A_86 = tpu.memref_slice %arg6[%and3A_74, %dma_wait3A_84, %dma_wait3A_85] : memref<2x40x512xi32, #tpu.memory_space<vmem>> -> memref<1x40x512xi32, #tpu.memory_space<vmem>>
      %dma_wait3A_87 = tpu.memref_squeeze %dma_wait3A_86 : memref<1x40x512xi32, #tpu.memory_space<vmem>> -> memref<40x512xi32, #tpu.memory_space<vmem>>
      %dma_wait3A_88 = tpu.memref_slice %arg3[%mul3A_76, %mul3A_2] : memref<200x16384xi32, #tpu.memory_space<hbm>> -> memref<40x512xi32, #tpu.memory_space<hbm>>
      tpu.wait_dma2 semaphore(%dma_wait3A_83 : memref<!tpu.dma_semaphore, #tpu.memory_space<semaphore_mem>>) src(%dma_wait3A_88 : memref<40x512xi32, #tpu.memory_space<hbm>>) dst(%dma_wait3A_87 : memref<40x512xi32, #tpu.memory_space<vmem>>)
      %ge3A = arith.constant 2 : i32
      %ge3A_89 = arith.cmpi sge, %add3A_73, %ge3A : i32
      %convert_element_type3A = arith.extui %ge3A_89 : i1 to i32
      %cond3A = arith.constant 0 : i32
      %cond3A_90 = arith.cmpi ne, %convert_element_type3A, %cond3A : i32
      scf.if %cond3A_90 {
        %dma_wait3A_111 = arith.constant 0 : i32
        %dma_wait3A_112 = arith.constant 0 : i32
        %dma_wait3A_113 = tpu.memref_slice %arg7[%and3A_74, %dma_wait3A_111, %dma_wait3A_112] : memref<2x40x512xf32, #tpu.memory_space<vmem>> -> memref<1x40x512xf32, #tpu.memory_space<vmem>>
        %dma_wait3A_114 = tpu.memref_squeeze %dma_wait3A_113 : memref<1x40x512xf32, #tpu.memory_space<vmem>> -> memref<40x512xf32, #tpu.memory_space<vmem>>
        %dma_wait3A_115 = tpu.memref_slice %arg4[%mul3A_76, %mul3A_2] : memref<200x16384xf32, #tpu.memory_space<hbm>> -> memref<40x512xf32, #tpu.memory_space<hbm>>
        %dma_wait3A_116 = tpu.memref_slice %arg9[%and3A_74] : memref<2x!tpu.dma_semaphore, #tpu.memory_space<semaphore_mem>> -> memref<1x!tpu.dma_semaphore, #tpu.memory_space<semaphore_mem>>
        %dma_wait3A_117 = tpu.memref_squeeze %dma_wait3A_116 : memref<1x!tpu.dma_semaphore, #tpu.memory_space<semaphore_mem>> -> memref<!tpu.dma_semaphore, #tpu.memory_space<semaphore_mem>>
        %dma_wait3A_118 = tpu.memref_slice %arg4[%mul3A_76, %mul3A_2] : memref<200x16384xf32, #tpu.memory_space<hbm>> -> memref<40x512xf32, #tpu.memory_space<hbm>>
        %dma_wait3A_119 = arith.constant 0 : i32
        %dma_wait3A_120 = arith.constant 0 : i32
        %dma_wait3A_121 = tpu.memref_slice %arg7[%and3A_74, %dma_wait3A_119, %dma_wait3A_120] : memref<2x40x512xf32, #tpu.memory_space<vmem>> -> memref<1x40x512xf32, #tpu.memory_space<vmem>>
        %dma_wait3A_122 = tpu.memref_squeeze %dma_wait3A_121 : memref<1x40x512xf32, #tpu.memory_space<vmem>> -> memref<40x512xf32, #tpu.memory_space<vmem>>
        tpu.wait_dma2 semaphore(%dma_wait3A_117 : memref<!tpu.dma_semaphore, #tpu.memory_space<semaphore_mem>>) src(%dma_wait3A_122 : memref<40x512xf32, #tpu.memory_space<vmem>>) dst(%dma_wait3A_118 : memref<40x512xf32, #tpu.memory_space<hbm>>)
      } else {
      }
      %parallel_loop3A = arith.constant 0 : i32
      %parallel_loop3A_91 = arith.constant 1280 : i32
      %parallel_loop3A_92 = arith.constant 1 : i32
      scf.for %parallel_loop3A_111 = %parallel_loop3A to %parallel_loop3A_91 step %parallel_loop3A_92  : i32 {
        %parallel_loop3A_112 = arith.constant 5 : i32
        %parallel_loop3A_113 = arith.shrsi %parallel_loop3A_111, %parallel_loop3A_112 : i32
        %parallel_loop3A_114 = arith.constant 31 : i32
        %parallel_loop3A_115 = arith.andi %parallel_loop3A_111, %parallel_loop3A_114 : i32
        %parallel_loop3A_116 = arith.constant 16 : i32
        %parallel_loop3A_117 = arith.muli %parallel_loop3A_115, %parallel_loop3A_116 : i32
        %parallel_loop3A_118 = arith.index_cast %and3A_74 : i32 to index
        %parallel_loop3A_119 = arith.index_cast %parallel_loop3A_113 : i32 to index
        %parallel_loop3A_120 = arith.index_cast %parallel_loop3A_117 : i32 to index
        %parallel_loop3A_121 = tpu.vector_load %arg6[%parallel_loop3A_118, %parallel_loop3A_119, %parallel_loop3A_120] {strides = array<i32>} : memref<2x40x512xi32, #tpu.memory_space<vmem>>, vector<16xi32>,
        %parallel_loop3A_122 = tpu.vector_load_idx %arg5[%parallel_loop3A_121] : memref<64xf32, #tpu.memory_space<vmem>>[vector<16xi32>], vector<16xf32>,
        %parallel_loop3A_123 = arith.index_cast %and3A_74 : i32 to index
        %parallel_loop3A_124 = arith.index_cast %parallel_loop3A_113 : i32 to index
        %parallel_loop3A_125 = arith.index_cast %parallel_loop3A_117 : i32 to index
        %parallel_loop3A_126 = tpu.vector_load %arg7[%parallel_loop3A_123, %parallel_loop3A_124, %parallel_loop3A_125] {strides = array<i32>} : memref<2x40x512xf32, #tpu.memory_space<vmem>>, vector<16xf32>,
        tpu.vector_store %arg7[%parallel_loop3A_123, %parallel_loop3A_124, %parallel_loop3A_125], %parallel_loop3A_122 {strides = array<i32>} : memref<2x40x512xf32, #tpu.memory_space<vmem>>, vector<16xf32>,
      } {sc.loop_unroll_factor = 16 : i64, sc.parallel_access}
      %dma_start3A_93 = arith.constant 0 : i32
      %dma_start3A_94 = arith.constant 0 : i32
      %dma_start3A_95 = tpu.memref_slice %arg7[%and3A_74, %dma_start3A_93, %dma_start3A_94] : memref<2x40x512xf32, #tpu.memory_space<vmem>> -> memref<1x40x512xf32, #tpu.memory_space<vmem>>
      %dma_start3A_96 = tpu.memref_squeeze %dma_start3A_95 : memref<1x40x512xf32, #tpu.memory_space<vmem>> -> memref<40x512xf32, #tpu.memory_space<vmem>>
      %dma_start3A_97 = tpu.memref_slice %arg4[%mul3A_76, %mul3A_2] : memref<200x16384xf32, #tpu.memory_space<hbm>> -> memref<40x512xf32, #tpu.memory_space<hbm>>
      %dma_start3A_98 = tpu.memref_slice %arg9[%and3A_74] : memref<2x!tpu.dma_semaphore, #tpu.memory_space<semaphore_mem>> -> memref<1x!tpu.dma_semaphore, #tpu.memory_space<semaphore_mem>>
      %dma_start3A_99 = tpu.memref_squeeze %dma_start3A_98 : memref<1x!tpu.dma_semaphore, #tpu.memory_space<semaphore_mem>> -> memref<!tpu.dma_semaphore, #tpu.memory_space<semaphore_mem>>
      %dma_start3A_100 = tpu.memref_slice %arg4[%mul3A_76, %mul3A_2] : memref<200x16384xf32, #tpu.memory_space<hbm>> -> memref<40x512xf32, #tpu.memory_space<hbm>>
      %dma_start3A_101 = arith.constant 0 : i32
      %dma_start3A_102 = arith.constant 0 : i32
      %dma_start3A_103 = tpu.memref_slice %arg7[%and3A_74, %dma_start3A_101, %dma_start3A_102] : memref<2x40x512xf32, #tpu.memory_space<vmem>> -> memref<1x40x512xf32, #tpu.memory_space<vmem>>
      %dma_start3A_104 = tpu.memref_squeeze %dma_start3A_103 : memref<1x40x512xf32, #tpu.memory_space<vmem>> -> memref<40x512xf32, #tpu.memory_space<vmem>>
      tpu.enqueue_dma source(%dma_start3A_104 : memref<40x512xf32, #tpu.memory_space<vmem>>) target(%dma_start3A_100 : memref<40x512xf32, #tpu.memory_space<hbm>>) target_semaphore(%dma_start3A_99 : memref<!tpu.dma_semaphore, #tpu.memory_space<semaphore_mem>>)
      %add3A_105 = arith.constant 2 : i32
      %add3A_106 = arith.addi %add3A_73, %add3A_105 : i32
      %lt3A = arith.constant 5 : i32
      %lt3A_107 = arith.cmpi slt, %add3A_106, %lt3A : i32
      %convert_element_type3A_108 = arith.extui %lt3A_107 : i1 to i32
      %cond3A_109 = arith.constant 0 : i32
      %cond3A_110 = arith.cmpi ne, %convert_element_type3A_108, %cond3A_109 : i32
      scf.if %cond3A_110 {
        %add3A_111 = arith.constant 2 : i32
        %add3A_112 = arith.addi %add3A_73, %add3A_111 : i32
        %mul3A_113 = arith.constant 40 : i32
        %mul3A_114 = arith.muli %add3A_112, %mul3A_113 : i32
        %dma_start3A_115 = arith.constant 0 : i32
        %dma_start3A_116 = arith.constant 0 : i32
        %dma_start3A_117 = tpu.memref_slice %arg6[%and3A_74, %dma_start3A_115, %dma_start3A_116] : memref<2x40x512xi32, #tpu.memory_space<vmem>> -> memref<1x40x512xi32, #tpu.memory_space<vmem>>
        %dma_start3A_118 = tpu.memref_squeeze %dma_start3A_117 : memref<1x40x512xi32, #tpu.memory_space<vmem>> -> memref<40x512xi32, #tpu.memory_space<vmem>>
        %dma_start3A_119 = tpu.memref_slice %arg3[%mul3A_114, %mul3A_2] : memref<200x16384xi32, #tpu.memory_space<hbm>> -> memref<40x512xi32, #tpu.memory_space<hbm>>
        %dma_start3A_120 = tpu.memref_slice %arg8[%and3A_74] : memref<2x!tpu.dma_semaphore, #tpu.memory_space<semaphore_mem>> -> memref<1x!tpu.dma_semaphore, #tpu.memory_space<semaphore_mem>>
        %dma_start3A_121 = tpu.memref_squeeze %dma_start3A_120 : memref<1x!tpu.dma_semaphore, #tpu.memory_space<semaphore_mem>> -> memref<!tpu.dma_semaphore, #tpu.memory_space<semaphore_mem>>
        %dma_start3A_122 = arith.constant 0 : i32
        %dma_start3A_123 = arith.constant 0 : i32
        %dma_start3A_124 = tpu.memref_slice %arg6[%and3A_74, %dma_start3A_122, %dma_start3A_123] : memref<2x40x512xi32, #tpu.memory_space<vmem>> -> memref<1x40x512xi32, #tpu.memory_space<vmem>>
        %dma_start3A_125 = tpu.memref_squeeze %dma_start3A_124 : memref<1x40x512xi32, #tpu.memory_space<vmem>> -> memref<40x512xi32, #tpu.memory_space<vmem>>
        %dma_start3A_126 = tpu.memref_slice %arg3[%mul3A_114, %mul3A_2] : memref<200x16384xi32, #tpu.memory_space<hbm>> -> memref<40x512xi32, #tpu.memory_space<hbm>>
        tpu.enqueue_dma source(%dma_start3A_126 : memref<40x512xi32, #tpu.memory_space<hbm>>) target(%dma_start3A_125 : memref<40x512xi32, #tpu.memory_space<vmem>>) target_semaphore(%dma_start3A_121 : memref<!tpu.dma_semaphore, #tpu.memory_space<semaphore_mem>>)
      } else {
      }
    }
    %scan3A_37 = arith.constant 5 : i32
    %dma_wait3A = arith.constant 1 : i32
    %dma_wait3A_38 = arith.constant 1 : i32
    %dma_wait3A_39 = arith.constant 0 : i32
    %dma_wait3A_40 = arith.constant 0 : i32
    %dma_wait3A_41 = tpu.memref_slice %arg7[%dma_wait3A, %dma_wait3A_39, %dma_wait3A_40] : memref<2x40x512xf32, #tpu.memory_space<vmem>> -> memref<1x40x512xf32, #tpu.memory_space<vmem>>
    %dma_wait3A_42 = tpu.memref_squeeze %dma_wait3A_41 : memref<1x40x512xf32, #tpu.memory_space<vmem>> -> memref<40x512xf32, #tpu.memory_space<vmem>>
    %dma_wait3A_43 = arith.constant 120 : i32
    %dma_wait3A_44 = tpu.memref_slice %arg4[%dma_wait3A_43, %mul3A_2] : memref<200x16384xf32, #tpu.memory_space<hbm>> -> memref<40x512xf32, #tpu.memory_space<hbm>>
    %dma_wait3A_45 = tpu.memref_slice %arg9[%dma_wait3A_38] : memref<2x!tpu.dma_semaphore, #tpu.memory_space<semaphore_mem>> -> memref<1x!tpu.dma_semaphore, #tpu.memory_space<semaphore_mem>>
    %dma_wait3A_46 = tpu.memref_squeeze %dma_wait3A_45 : memref<1x!tpu.dma_semaphore, #tpu.memory_space<semaphore_mem>> -> memref<!tpu.dma_semaphore, #tpu.memory_space<semaphore_mem>>
    %dma_wait3A_47 = arith.constant 120 : i32
    %dma_wait3A_48 = tpu.memref_slice %arg4[%dma_wait3A_47, %mul3A_2] : memref<200x16384xf32, #tpu.memory_space<hbm>> -> memref<40x512xf32, #tpu.memory_space<hbm>>
    %dma_wait3A_49 = arith.constant 0 : i32
    %dma_wait3A_50 = arith.constant 0 : i32
    %dma_wait3A_51 = tpu.memref_slice %arg7[%dma_wait3A, %dma_wait3A_49, %dma_wait3A_50] : memref<2x40x512xf32, #tpu.memory_space<vmem>> -> memref<1x40x512xf32, #tpu.memory_space<vmem>>
    %dma_wait3A_52 = tpu.memref_squeeze %dma_wait3A_51 : memref<1x40x512xf32, #tpu.memory_space<vmem>> -> memref<40x512xf32, #tpu.memory_space<vmem>>
    tpu.wait_dma2 semaphore(%dma_wait3A_46 : memref<!tpu.dma_semaphore, #tpu.memory_space<semaphore_mem>>) src(%dma_wait3A_52 : memref<40x512xf32, #tpu.memory_space<vmem>>) dst(%dma_wait3A_48 : memref<40x512xf32, #tpu.memory_space<hbm>>)
    %dma_wait3A_53 = arith.constant 0 : i32
    %dma_wait3A_54 = arith.constant 0 : i32
    %dma_wait3A_55 = arith.constant 0 : i32
    %dma_wait3A_56 = arith.constant 0 : i32
    %dma_wait3A_57 = tpu.memref_slice %arg7[%dma_wait3A_53, %dma_wait3A_55, %dma_wait3A_56] : memref<2x40x512xf32, #tpu.memory_space<vmem>> -> memref<1x40x512xf32, #tpu.memory_space<vmem>>
    %dma_wait3A_58 = tpu.memref_squeeze %dma_wait3A_57 : memref<1x40x512xf32, #tpu.memory_space<vmem>> -> memref<40x512xf32, #tpu.memory_space<vmem>>
    %dma_wait3A_59 = arith.constant 160 : i32
    %dma_wait3A_60 = tpu.memref_slice %arg4[%dma_wait3A_59, %mul3A_2] : memref<200x16384xf32, #tpu.memory_space<hbm>> -> memref<40x512xf32, #tpu.memory_space<hbm>>
    %dma_wait3A_61 = tpu.memref_slice %arg9[%dma_wait3A_54] : memref<2x!tpu.dma_semaphore, #tpu.memory_space<semaphore_mem>> -> memref<1x!tpu.dma_semaphore, #tpu.memory_space<semaphore_mem>>
    %dma_wait3A_62 = tpu.memref_squeeze %dma_wait3A_61 : memref<1x!tpu.dma_semaphore, #tpu.memory_space<semaphore_mem>> -> memref<!tpu.dma_semaphore, #tpu.memory_space<semaphore_mem>>
    %dma_wait3A_63 = arith.constant 160 : i32
    %dma_wait3A_64 = tpu.memref_slice %arg4[%dma_wait3A_63, %mul3A_2] : memref<200x16384xf32, #tpu.memory_space<hbm>> -> memref<40x512xf32, #tpu.memory_space<hbm>>
    %dma_wait3A_65 = arith.constant 0 : i32
    %dma_wait3A_66 = arith.constant 0 : i32
    %dma_wait3A_67 = tpu.memref_slice %arg7[%dma_wait3A_53, %dma_wait3A_65, %dma_wait3A_66] : memref<2x40x512xf32, #tpu.memory_space<vmem>> -> memref<1x40x512xf32, #tpu.memory_space<vmem>>
    %dma_wait3A_68 = tpu.memref_squeeze %dma_wait3A_67 : memref<1x40x512xf32, #tpu.memory_space<vmem>> -> memref<40x512xf32, #tpu.memory_space<vmem>>
    tpu.wait_dma2 semaphore(%dma_wait3A_62 : memref<!tpu.dma_semaphore, #tpu.memory_space<semaphore_mem>>) src(%dma_wait3A_68 : memref<40x512xf32, #tpu.memory_space<vmem>>) dst(%dma_wait3A_64 : memref<40x512xf32, #tpu.memory_space<hbm>>)
    return
  }
}

</mosaic_0001>

<sc_bundles>
// kernel: kernel.3.cloned.1.call-start
scs
__scs_entry_jumppad:
0x0: {  	(pc) =	sbr.rel $0x88, $3  }
0x1: {  	(tag) =	ssettag $0x0;
	lr =	simm.s32 $0x1  }
0x2: {  	[smem:$0x3F9F] =	sst lr;
	_ =	strace $0xD0000000  }
0x3: {  	_ = 	snop  }
0x4: {  	_ = 	snop  }
0x5: {  	_ = 	snop  }
0x6: {  	_ = 	snop  }
0x7: {  	_ = 	snop  }
__scs_overlays_trampoline_lowered:
0x8: {  	[smem:$0x3FAE] =	sst s0  }
0x9: {  	[smem:$0x3FAF] =	sst s1  }
0xa: {  	[smem:$0x3FB0] =	sst s2  }
0xb: {  	[smem:$0x3FB1] =	sst s3  }
0xc: {  	[smem:$0x3FB2] =	sst s4  }
0xd: {  	[smem:$0x3FB3] =	sst s5  }
0xe: {  	[smem:$0x3FB4] =	sst s6  }
0xf: {  	[smem:$0x3FB5] =	sst s7  }
0x10: {  	[smem:$0x3FB6] =	sst s8  }
0x11: {  	[smem:$0x3FB7] =	sst s9;
	s0 =	simm.s32 @!p0 $0x0  }
0x12: {  	s1 =	sld [smem:$0x3F9D];
	s0 =	simm.s32 @p0 $0x1  }
0x13: {  	[smem:$0x3FB8] =	sst s0;
	s0 =	simm.s32 @!p1 $0x0  }
0x14: {  	s2 =	sld [smem:$0x3F9C];
	s0 =	simm.s32 @p1 $0x1  }
0x15: {  	[smem:$0x3FB9] =	sst s0;
	s0 =	simm.s32 @!p2 $0x0  }
0x16: {  	s3 =	sld [smem:$0x3FDB];
	s0 =	simm.s32 @p2 $0x1  }
0x17: {  	s4 =	simm.s32 $0x1BF5;
	[smem:$0x3FBB] =	sst s0  }
0x18: {  	s0 =	sld [smem:$0x3F9E];
	_ =	swait.ge [sflag:s4], $0x0  }
0x19: {  	s7 =	sld [smem:$0x3F9F]  }
0x1a: {  	s8 =	sadd.s32 $0xFFFFE003, lr  }
0x1b: {  	s9 =	sadd.s32 $0xFFFFFEF7, lr;
	s5 =	simm.s32 $0xFFFFFFFF;
	p2 =	slt.u32 s8, $0xFFFFF086  }
0x1c: {  	p1 =	slt.u32 s9, $0xF7A;
	s5 =	simm.s32 @!p2 $0x0  }
0x1d: {  	s5 =	simm.s32 @p1 $0x1;
	p0 =	seq.s32 s7, s2  }
0x1e: {  	s7 =	smul.u32 @!p0 $0xF7A, s2;
	p2 =	seq.s32 @!p0 s5, $0x0  }
0x1f: {  	s9 =	smul.u32 $0xF7A, s1;
	s8 =	simm.s32 @!p0 $0x1BF5;
	p2 =	por !p2, p0  }
0x20: {  	[sflag:s8] =	ssyncset.s32 @!p0 $0xFFFFF086;
	s6 =	sadd.s32 @!p0 s3, s7;
	s7 =	simm.s32 @!p0 $0x108  }
0x21: {  	s3 =	sadd.s32 s3, s9;
	s6 =	sadd.s32 @!p0 $0x88, s6;
	s7 =	simm.s32 @p2 $0x1082  }
0x22: {  	[simem:s7], [sflag:s8] =	dma.local @!p0 [hbm:s6], $0xF7A  }
0x23: {  	s9 =	sor.u32 $0xD0000000, s2;
	s6 =	simm.s32 $0x108;
	_ =	swait.ge @!p0 [sflag:s8], $0x0  }
0x24: {  	s3 =	sadd.s32 $0x88, s3;
	s6 =	simm.s32 @!p1 $0x1082;
	[sflag:s4] =	ssyncset.s32 $0xFFFFF086  }
0x25: {  	[simem:s6], [sflag:s4] =	dma.local [hbm:s3], $0xF7A  }
0x26: {  	[smem:$0x3F9F] =	sst s1;
	(tag) =	ssettag s2;
	_ =	strace s9  }
0x27: {  	s1 =	sld [smem:$0x3FAF]  }
0x28: {  	s2 =	sld [smem:$0x3FB0]  }
0x29: {  	s4 =	sld [smem:$0x3FB2]  }
0x2a: {  	p0 =	seq.s32 s5, $0x0;
	s5 =	sld [smem:$0x3FB3]  }
0x2b: {  	s6 =	sld [smem:$0x3FB4]  }
0x2c: {  	s7 =	sld [smem:$0x3FB5]  }
0x2d: {  	s3 =	simm.s32 $0x108;
	s8 =	sld [smem:$0x3FB6]  }
0x2e: {  	s3 =	simm.s32 @!p0 $0x1082;
	s9 =	sld [smem:$0x3FB7]  }
0x2f: {  	lr =	sadd.s32 s0, s3;
	s0 =	sld [smem:$0x3FAE]  }
0x30: {  	s3 =	sld [smem:$0x3FB1]  }
0x31: {  	[smem:$0x3FBA] =	sst s10  }
0x32: {  	s10 =	sld [smem:$0x3FB8];
	_ =	sdelay $0x3  }
0x33: {  	p0 =	seq.s32 s10, $0x1;
	s10 =	sld [smem:$0x3FBA];
	_ =	sdelay $0x3  }
0x34: {  	[smem:$0x3FBA] =	sst s10  }
0x35: {  	s10 =	sld [smem:$0x3FB9];
	_ =	sdelay $0x3  }
0x36: {  	p1 =	seq.s32 s10, $0x1;
	s10 =	sld [smem:$0x3FBA];
	_ =	sdelay $0x3  }
0x37: {  	[smem:$0x3FBA] =	sst s10  }
0x38: {  	s10 =	sld [smem:$0x3FBB]  }
0x39: {  	_ = 	snop;
	(pc) =	sbr.ind lr, $3  }
0x3a: {  	_ = 	snop  }
0x3b: {  	_ = 	snop  }
0x3c: {  	p2 =	seq.s32 s10, $0x1;
	s10 =	sld [smem:$0x3FBA]  }
0x3d: {  	_ =	shalt  }
0x3e: {  	_ =	shalt  }
0x3f: {  	_ =	shalt  }
0x40: {  	_ =	shalt  }
0x41: {  	_ =	shalt  }
0x42: {  	_ =	shalt  }
0x43: {  	_ =	shalt  }
0x44: {  	_ =	shalt  }
0x45: {  	_ =	shalt  }
0x46: {  	_ =	shalt  }
0x47: {  	_ =	shalt  }
0x48: {  	_ =	shalt  }
0x49: {  	_ =	shalt  }
0x4a: {  	_ =	shalt  }
0x4b: {  	_ =	shalt  }
0x4c: {  	_ =	shalt  }
0x4d: {  	_ =	shalt  }
0x4e: {  	_ =	shalt  }
0x4f: {  	_ =	shalt  }
0x50: {  	_ =	shalt  }
0x51: {  	_ =	shalt  }
0x52: {  	_ =	shalt  }
0x53: {  	_ =	shalt  }
0x54: {  	_ =	shalt  }
0x55: {  	_ =	shalt  }
0x56: {  	_ =	shalt  }
0x57: {  	_ =	shalt  }
0x58: {  	_ =	shalt  }
0x59: {  	_ =	shalt  }
0x5a: {  	_ =	shalt  }
0x5b: {  	_ =	shalt  }
0x5c: {  	_ =	shalt  }
0x5d: {  	_ =	shalt  }
0x5e: {  	_ =	shalt  }
0x5f: {  	_ =	shalt  }
0x60: {  	_ =	shalt  }
0x61: {  	_ =	shalt  }
0x62: {  	_ =	shalt  }
0x63: {  	_ =	shalt  }
0x64: {  	_ =	shalt  }
0x65: {  	_ =	shalt  }
0x66: {  	_ =	shalt  }
0x67: {  	_ =	shalt  }
0x68: {  	_ =	shalt  }
0x69: {  	_ =	shalt  }
0x6a: {  	_ =	shalt  }
0x6b: {  	_ =	shalt  }
0x6c: {  	_ =	shalt  }
0x6d: {  	_ =	shalt  }
0x6e: {  	_ =	shalt  }
0x6f: {  	_ =	shalt  }
0x70: {  	_ =	shalt  }
0x71: {  	_ =	shalt  }
0x72: {  	_ =	shalt  }
0x73: {  	_ =	shalt  }
0x74: {  	_ =	shalt  }
0x75: {  	_ =	shalt  }
0x76: {  	_ =	shalt  }
0x77: {  	_ =	shalt  }
0x78: {  	_ =	shalt  }
0x79: {  	_ =	shalt  }
0x7a: {  	_ =	shalt  }
0x7b: {  	_ =	shalt  }
0x7c: {  	_ =	shalt  }
0x7d: {  	_ =	shalt  }
0x7e: {  	_ =	shalt  }
0x7f: {  	_ =	shalt  }
0x80: {  	_ =	shalt  }
0x81: {  	_ =	shalt  }
0x82: {  	_ =	shalt  }
0x83: {  	_ =	shalt  }
0x84: {  	_ =	shalt  }
0x85: {  	_ =	shalt  }
0x86: {  	_ =	shalt  }
0x87: {  	_ =	shalt  }
.Lfunc_end0:
.L_simem_size_0:
called_computation_lowered:
.L_overlay_start_0:
0x88: {  	s2 =	sld [smem:$0x3FD9]  }
0x89: {  	s3 =	sld [smem:$0x3FFE];
	_ =	sdelay $0x1  }
0x8a: {  	s1 =	srdreg.scid  }
0x8b: {  	s0 =	sand.u32 $0x1, s1  }
0x8c: {  	s18 =	sshll.u32 s0, $0xA;
	s2 =	sadd.s32 s3, s2  }
0x8d: {  	s2 =	sadd.s32 s2, s18  }
0x8e: {  	[smem:$0x3FC6] =	sst s2  }
0x8f: {  	_ = 	snop  }
0x90: {  	s2 =	sld [smem:$0x3FC9]  }
0x91: {  	s19 =	sld [smem:$0x3FC8]  }
0x92: {  	s4 =	sld [smem:$0x3FD0];
	(tm) =	ssettm $0x1  }
0x93: {  	s5 =	sld [smem:$0x3FFB];
	_ =	sdelay $0x3  }
0x94: {  	_ =	strace s5  }
0x95: {  	s5 =	sld [smem:$0x3FFC];
	_ =	sdelay $0x3  }
0x96: {  	_ =	strace s5  }
0x97: {  	s5 =	sld [smem:$0x3FFD];
	_ =	sdelay $0x3  }
0x98: {  	_ =	strace s5  }
0x99: {  	_ =	strace $0x8FFFFFFF  }
0x9a: {  	s20 =	sld [smem:$0x3FDB];
	_ =	sdelay $0x1  }
0x9b: {  	s6 =	simm.s32 $_scs_section_size  }
0x9c: {  	s7 =	simm.s32 $_size__tile_overlayer_lowered;
	s8 =	simm.s32 $_tile_overlayer_lowered  }
0x9d: {  	s23 =	simm.s32 $0x1BFF;
	s22 =	sshll.u32 s8, $0x1;
	s5 =	sadd.s32 s6, s20  }
0x9e: {  	s9 =	simm.s32 $0x0;
	s21 =	sshll.u32 s7, $0x1;
	s7 =	sadd.s32 s22, s5  }
0x9f: {  	[timem:s9], [sflag:s23] =	dma.local [hbm:s7], s21  }
0xa0: {  	_ =	swait.ge [sflag:s23], s21  }
0xa1: {  	s6 =	ssub.s32 $0x0, s21;
	[sflag:s23] =	ssyncset.done $0x0  }
0xa2: {  	[sflag:s23] =	ssyncadd.s32 s6;
	_ =	sdelay $0x1  }
0xa3: {  	s24 =	simm.s32 $0x1B8B  }
0xa4: {  	_ =	swait.ge [sflag:s24], $0x1  }
0xa5: {  	[sflag:s24] =	ssyncset.done $0x0  }
0xa6: {  	s25 =	simm.s32 $0x1B8E;
	[sflag:s24] =	ssyncadd.s32 $0xFFFFFFFF  }
0xa7: {  	s26 =	simm.s32 $execute0_lowered;
	[smem:$0x3FD2] =	sst s25  }
0xa8: {  	s6 =	sshll.u32 s26, $0x1;
	_ =	strace $0x80000046;
	[dreg:$0x1] =	wrdreg $0xFFFFFFFF  }
0xa9: {  	s28 =	simm.s32 $_size_execute0_lowered;
	s5 =	sadd.s32 s5, s6;
	[dreg:$0x0] =	wrdreg $0x0  }
0xaa: {  	s6 =	sshll.u32 s28, $0x1;
	[dreg:$0x2] =	wrdreg s5  }
0xab: {  	[dreg:$0x3] =	wrdreg s6  }
0xac: {  	[dreg:$0x4] =	wrdreg $0xC0  }
0xad: {  	_ =	task [dreg:s9], $0x5FFFF  }
0xae: {  	[dreg:$0x1] =	wrdreg $0xFFFFFFFF  }
0xaf: {  	[dreg:$0x0] =	wrdreg $0x60  }
0xb0: {  	[dreg:$0x2] =	wrdreg s2  }
0xb1: {  	[dreg:$0x3] =	wrdreg s19  }
0xb2: {  	[dreg:$0x4] =	wrdreg s4  }
0xb3: {  	[dreg:$0x5] =	wrdreg $0x9  }
0xb4: {  	_ =	task.clear_ibuf [dreg:s9], $0x6FFFF;
	_ =	strace $0x90000046  }
0xb5: {  	s29 =	simm.s32 $0x9;
	_ =	strace $0x80000048  }
0xb6: {  	_ =	swait.ge [sflag:s29], $0x1  }
0xb7: {  	[sflag:s29] =	ssyncadd.s32 $0xFFFFFFFF  }
0xb8: {  	_ =	strace $0x90000048  }
0xb9: {  	_ =	sfence  }
0xba: {  	s30 =	sld [smem:$0x0];
	_ =	sdelay $0x2  }
0xbb: {  	s31 =	sshll.u32 s1, $0xD;
	s1 =	sshrl.u32 s1, $0x2  }
0xbc: {  	s3 =	sand.u32 $0x4000, s31;
	s1 =	sadd.s32 s1, s30  }
0xbd: {  	s0 =	sor.u32 s3, s0;
	s1 =	sshll.u32 s1, $0x11  }
0xbe: {  	s0 =	sor.u32 s1, s0  }
0xbf: {  	s0 =	sadd.s32 $0x8F2B, s0  }
0xc0: {  	[sflag:s0] =	ssyncadd.remote.s32 $0x1  }
0xc1: {  	_ =	sfence.sel $0xFFFF  }
0xc2: {  	[dreg:$0x0] =	wrdreg $0xFFFFFFFF;
	(pc) =	sbr.abs _section_cstart, $3  }
0xc3: {  	[dreg:$0x1] =	wrdreg $0xFFFFFFFF  }
0xc4: {  	_ =	task.clear_ibuf [dreg:s9], $0x2FFFF;
	_ =	strace $0x9FFFFFFF  }
0xc5: {  	(tm) =	ssettm $0x7FFFFFFF  }
tec
execute0_lowered:
.L_overlay_start_1:
0x0: {  	(tag) =	ssettag $0x1  }
0x1: {  	s1 =	rddreg [dreg:$0x0]  }
0x2: {  	s2 =	srdreg.scid;
	s3 =	rddreg [dreg:$0x1]  }
0x3: {  	s0 =	stileid.u32;
	s4 =	rddreg [dreg:$0x2]  }
0x4: {  	s5 =	simm.s32 $0x0;
	s11 =	simm.s32 $0x1000;
	s12 =	simm.s32 $0x20000  }
0x5: {  	s13 =	simm.s32 $0x80;
	s14 =	simm.s32 $0x5080;
	s15 =	simm.s32 $0x5  }
0x6: {  	s16 =	simm.s32 $0x4;
	s17 =	simm.s32 $0x3;
	s7 =	sand.u32 $0x1, s2  }
0x7: {  	s18 =	simm.s32 $0x0;
	s6 =	sshll.u32 s0, $0xD;
	s8 =	sshll.u32 s7, $0xC  }
0x8: {  	s2 =	rddreg [dreg:$0x3];
	s30 =	ssub.s32 $0x2, s7;
	s6 =	sor.u32 s8, s6  }
0x9: {  	[smem:$0x7FF] =	sst s5;
	s9 =	sshrl.u32 s30, $0x1;
	s31 =	sshrl.u32 s6, $0x3  }
0xa: {  	_ =	strace $0x80000047;
	s10 =	ssub.s32 s30, s9;
	s7 =	sadd.s32 s3, s31  }
0xb: {  	s9 =	sor.u32 $0x140000, s6;
	s10 =	smax.u32 s10, $0x1;
	s8 =	sadd.s32 $0x14000, s7  }
.LBB2_1:
0xc: {  	[tilespmem:s13], [sflag:$0x1] =	stream.strided.gather [hbm4b:s7+s11], $0x5000, s12, s11, $0x38;
	[tilespmem:$0x14080] =	vst v63  }
0xd: {  	_ = 	snop  }
0xe: {  	[tilespmem:s14], [sflag:$0x2] =	stream.strided.gather [hbm4b:s8+s11], $0x5000, s12, s11, $0x38;
	[tilespmem:$0x14080] =	vst v63  }
0xf: {  	_ = 	snop  }
0x10: {  	[tilespmem:s5], [sflag:$0x5] =	stream.linear.gather [hbm4b:s1+s5], $0x80, $0x38;
	[tilespmem:$0x14080] =	vst v63  }
0x11: {  	_ =	swait.ge [sflag:s15], $0x80  }
0x12: {  	[sflag:s15] =	ssyncset.done $0x0  }
0x13: {  	s19 =	simm.s32 $0x0;
	[sflag:s15] =	ssyncadd.s32 $0xFFFFFF80  }
.LBB2_2:
0x14: {  	s21 =	sand.u32 $0x1, s19  }
0x15: {  	p0 =	slt.u32 s19, $0x2;
	s20 =	sadd.s32 $0x1, s21  }
0x16: {  	s24 =	simm.s32 $0x0;
	s25 =	simm.s32 $0x0;
	_ =	swait.ge [sflag:s20], $0x5000  }
0x17: {  	s26 =	simm.s32 $0x0;
	s23 =	sadd.s32 @!p0 $0x3, s21;
	[sflag:s20] =	ssyncset.done $0x0  }
0x18: {  	s22 =	smul.u32 $0x5000, s21;
	s25 =	sand.u32 $0x7000, s25;
	[sflag:s20] =	ssyncadd.s32 $0xFFFFB000  }
0x19: {  	s28 =	sand.u32 $0x800, s24;
	s26 =	sand.u32 $0x380, s26;
	_ =	swait.ge @!p0 [sflag:s23], $0x5000  }
0x1a: {  	s26 =	sor.u32 s28, s26;
	s25 =	sadd.s32 s22, s25;
	[sflag:s23] =	ssyncset.done @!p0 $0x0  }
0x1b: {  	[sflag:s23] =	ssyncadd.s32 @!p0 $0xFFFFB000;
	s23 =	sor.u32 s25, s26  }
0x1c: {  	v0 =	vld [tilespmem:s23+$0x4F0]  }
0x1d: {  	v5 =	vld [tilespmem:s23+$0x80]  }
0x1e: {  	v6 =	vld [tilespmem:s23+$0x90]  }
0x1f: {  	v7 =	vld [tilespmem:s23+$0xA0]  }
0x20: {  	v8 =	vld [tilespmem:s23+$0xB0]  }
0x21: {  	v9 =	vld [tilespmem:s23+$0xC0]  }
0x22: {  	v11 =	vld [tilespmem:s23+$0xD0]  }
0x23: {  	v12 =	vld [tilespmem:s23+$0xE0]  }
0x24: {  	v14 =	vld [tilespmem:s23+$0xF0]  }
0x25: {  	v15 =	vld [tilespmem:s23+$0x480]  }
0x26: {  	v16 =	vld [tilespmem:s23+$0x490]  }
0x27: {  	v4 =	vld [tilespmem:s23+$0x4A0]  }
0x28: {  	v3 =	vld [tilespmem:s23+$0x4B0]  }
0x29: {  	v2 =	vld [tilespmem:s23+$0x4C0]  }
0x2a: {  	v1 =	vld [tilespmem:s23+$0x4D0]  }
0x2b: {  	v13 =	vld.idx.msk [tilespmem:v0+s5+$0x0], $0xffff  }
0x2c: {  	v0 =	vld [tilespmem:s23+$0x4E0]  }
0x2d: {  	v5 =	vld.idx.msk [tilespmem:v5+s5+$0x0], $0xffff  }
0x2e: {  	v6 =	vld.idx.msk [tilespmem:v6+s5+$0x0], $0xffff  }
0x2f: {  	v7 =	vld.idx.msk [tilespmem:v7+s5+$0x0], $0xffff  }
0x30: {  	v17 =	vld.idx.msk [tilespmem:v8+s5+$0x0], $0xffff  }
0x31: {  	v10 =	vld.idx.msk [tilespmem:v9+s5+$0x0], $0xffff  }
0x32: {  	v9 =	vld.idx.msk [tilespmem:v11+s5+$0x0], $0xffff;
	[tilespmem:s23+$0xA4F0] =	vst v13  }
0x33: {  	v8 =	vld.idx.msk [tilespmem:v12+s5+$0x0], $0xffff;
	[tilespmem:s23+$0xA080] =	vst v5  }
0x34: {  	[tilespmem:s23+$0xA090] =	vst v6;
	v6 =	vld.idx.msk [tilespmem:v14+s5+$0x0], $0xffff  }
0x35: {  	[tilespmem:s23+$0xA0A0] =	vst v7;
	v5 =	vld.idx.msk [tilespmem:v15+s5+$0x0], $0xffff  }
0x36: {  	s25 =	sor.u32 $0x80, s22;
	s26 =	simm.s32 $0x0;
	[tilespmem:s23+$0xA0B0] =	vst v17;
	v7 =	vld.idx.msk [tilespmem:v16+s5+$0x0], $0xffff  }
.LBB2_3:
0x37: {  	s26 =	sadd.s32 $0x10, s26;
	[tilespmem:s23+$0xA0C0] =	vst v10;
	v4 =	vld.idx.msk [tilespmem:v4+s5+$0x0], $0xffff  }
0x38: {  	s24 =	sadd.s32 $0x800, s24;
	s28 =	sshll.u32 s26, $0x4;
	s29 =	sshll.u32 s26, $0x2;
	[tilespmem:s23+$0xA0D0] =	vst v9;
	v3 =	vld.idx.msk [tilespmem:v3+s5+$0x0], $0xffff  }
0x39: {  	s30 =	sand.u32 $0x800, s24;
	s28 =	sand.u32 $0x7000, s28;
	s29 =	sand.u32 $0x380, s29;
	[tilespmem:s23+$0xA0E0] =	vst v8;
	v2 =	vld.idx.msk [tilespmem:v2+s5+$0x0], $0xffff  }
0x3a: {  	p0 =	slt.u32 s26, $0x4F0;
	s28 =	sadd.s32 s22, s28;
	s29 =	sor.u32 s30, s29;
	[tilespmem:s23+$0xA0F0] =	vst v6;
	v1 =	vld.idx.msk [tilespmem:v1+s5+$0x0], $0xffff  }
0x3b: {  	s28 =	sor.u32 s28, s29;
	[tilespmem:s23+$0xA480] =	vst v5;
	v0 =	vld.idx.msk [tilespmem:v0+s5+$0x0], $0xffff  }
0x3c: {  	v5 =	vld [tilespmem:s28+$0x4F0];
	[tilespmem:s23+$0xA490] =	vst v7  }
0x3d: {  	v6 =	vld [tilespmem:s28+$0x80];
	[tilespmem:s23+$0xA4A0] =	vst v4  }
0x3e: {  	v7 =	vld [tilespmem:s28+$0x90];
	[tilespmem:s23+$0xA4B0] =	vst v3  }
0x3f: {  	v8 =	vld [tilespmem:s28+$0xA0];
	[tilespmem:s23+$0xA4C0] =	vst v2  }
0x40: {  	v9 =	vld [tilespmem:s28+$0xB0];
	[tilespmem:s23+$0xA4D0] =	vst v1  }
0x41: {  	v10 =	vld [tilespmem:s28+$0xC0];
	[tilespmem:s23+$0xA4E0] =	vst v0;
	s23 =	smov.u32 s28  }
0x42: {  	v11 =	vld [tilespmem:s23+$0xD0]  }
0x43: {  	v12 =	vld [tilespmem:s23+$0xE0]  }
0x44: {  	v0 =	vld.idx.msk [tilespmem:v5+s5+$0x0], $0xffff  }
0x45: {  	v5 =	vld [tilespmem:s23+$0xF0]  }
0x46: {  	v13 =	vld [tilespmem:s23+$0x480]  }
0x47: {  	v14 =	vld [tilespmem:s23+$0x490]  }
0x48: {  	v4 =	vld [tilespmem:s23+$0x4A0]  }
0x49: {  	v3 =	vld [tilespmem:s23+$0x4B0]  }
0x4a: {  	v2 =	vld [tilespmem:s23+$0x4C0];
	[tilespmem:s23+$0xA4F0] =	vst v0  }
0x4b: {  	v1 =	vld [tilespmem:s23+$0x4D0]  }
0x4c: {  	v0 =	vld [tilespmem:s23+$0x4E0]  }
0x4d: {  	v6 =	vld.idx.msk [tilespmem:v6+s5+$0x0], $0xffff  }
0x4e: {  	v7 =	vld.idx.msk [tilespmem:v7+s5+$0x0], $0xffff  }
0x4f: {  	v15 =	vld.idx.msk [tilespmem:v8+s5+$0x0], $0xffff  }
0x50: {  	v16 =	vld.idx.msk [tilespmem:v9+s5+$0x0], $0xffff  }
0x51: {  	v10 =	vld.idx.msk [tilespmem:v10+s5+$0x0], $0xffff  }
.Ltmp0:
0x52: {  	v9 =	vld.idx.msk [tilespmem:v11+s5+$0x0], $0xffff;
	(pc) =	sbr.rel @p0 .LBB2_3-.Ltmp0, $4  }
0x53: {  	[tilespmem:s23+$0xA080] =	vst v6;
	v8 =	vld.idx.msk [tilespmem:v12+s5+$0x0], $0xffff  }
0x54: {  	[tilespmem:s23+$0xA090] =	vst v7;
	v6 =	vld.idx.msk [tilespmem:v5+s5+$0x0], $0xffff  }
0x55: {  	[tilespmem:s23+$0xA0A0] =	vst v15;
	v5 =	vld.idx.msk [tilespmem:v13+s5+$0x0], $0xffff  }
0x56: {  	[tilespmem:s23+$0xA0B0] =	vst v16;
	v7 =	vld.idx.msk [tilespmem:v14+s5+$0x0], $0xffff  }
0x57: {  	_ =	sdelay $0x2  }
0x58: {  	[tilespmem:s23+$0xA0C0] =	vst v10  }
0x59: {  	v4 =	vld.idx.msk [tilespmem:v4+s5+$0x0], $0xffff;
	[tilespmem:s23+$0xA0D0] =	vst v9  }
0x5a: {  	v3 =	vld.idx.msk [tilespmem:v3+s5+$0x0], $0xffff;
	[tilespmem:s23+$0xA0E0] =	vst v8  }
0x5b: {  	v2 =	vld.idx.msk [tilespmem:v2+s5+$0x0], $0xffff;
	[tilespmem:s23+$0xA0F0] =	vst v6  }
0x5c: {  	v1 =	vld.idx.msk [tilespmem:v1+s5+$0x0], $0xffff;
	[tilespmem:s23+$0xA480] =	vst v5  }
0x5d: {  	v0 =	vld.idx.msk [tilespmem:v0+s5+$0x0], $0xffff;
	[tilespmem:s23+$0xA490] =	vst v7  }
0x5e: {  	s24 =	smul.u32 $0xA0000, s19;
	[tilespmem:s23+$0xA4A0] =	vst v4  }
0x5f: {  	[tilespmem:s23+$0xA4B0] =	vst v3  }
0x60: {  	s26 =	sor.u32 s6, s24;
	[tilespmem:s23+$0xA4C0] =	vst v2  }
0x61: {  	s22 =	sadd.s32 $0xA080, s22;
	s26 =	sshrl.u32 s26, $0x3;
	[tilespmem:s23+$0xA4D0] =	vst v1  }
0x62: {  	s21 =	sadd.s32 $0x3, s21;
	p0 =	sgt.u32 s19, $0x2;
	s31 =	sadd.s32 s4, s26;
	[tilespmem:s23+$0xA4E0] =	vst v0  }
0x63: {  	[hbm4b:s31+s11] =	stream.strided.scatter [tilespmem:s22], [sflag:s21], $0x5000, s12, s11, $0x38;
	[tilespmem:$0x14080] =	vst v63  }
0x64: {  	s21 =	sadd.s32 @!p0 s9, s24  }
0x65: {  	s19 =	sadd.s32 $0x1, s19;
	s21 =	sshrl.u32 @!p0 s21, $0x3  }
0x66: {  	s23 =	simm.s32 @!p0 $0x20000;
	s22 =	simm.s32 @!p0 $0x1000;
	s21 =	sadd.s32 @!p0 s3, s21  }
0x67: {  	[tilespmem:s25], [sflag:s20] =	stream.strided.gather @!p0 [hbm4b:s21+s22], $0x5000, s23, s22, $0x38;
	[tilespmem:$0x14080] =	vst v63  }
0x68: {  	p0 =	sne.s32 s19, $0x5  }
.Ltmp1:
0x69: {  	_ = 	snop;
	(pc) =	sbr.rel @p0 .LBB2_2-.Ltmp1, $1  }
0x6a: {  	_ =	sdelay $0x3  }
0x6b: {  	s18 =	sadd.s32 $0x1, s18  }
0x6c: {  	_ =	swait.ge [sflag:s16], $0x5000;
	p0 =	sne.s32 s18, s10  }
.Ltmp2:
0x6d: {  	[sflag:s16] =	ssyncset.done $0x0;
	(pc) =	sbr.rel @p0 .LBB2_1-.Ltmp2, $4  }
0x6e: {  	[sflag:s16] =	ssyncadd.s32 $0xFFFFB000  }
0x6f: {  	_ =	swait.ge [sflag:s17], $0x5000  }
0x70: {  	[sflag:s17] =	ssyncset.done $0x0  }
0x71: {  	[sflag:s17] =	ssyncadd.s32 $0xFFFFB000  }
0x72: {  	_ =	sfence.sel $0x180000  }
0x73: {  	[bflag:$0x0] =	sbarrier.arrive $0xFFFF  }
0x74: {  	p0 =	sne.s32 s0, $0x0;
	_ =	strace $0x90000047  }
0x75: {  	s0 =	sadd.s32 @!p0 $0x100000, s2;
	[bflag:$0x2] =	sbarrier.arrive $0xFFFF  }
0x76: {  	[sflag:s0] =	ssyncadd.tile.s32 @!p0 $0x1;
	_ =	shalt  }
.Lfunc_end2:
_tile_overlayer_lowered:
.L_overlay_start_2:
0x77: {  	(tag) =	ssettag $0x2  }
0x78: {  	s0 =	rddreg [dreg:$0x0];
	s2 =	stileid.u32  }
0x79: {  	s1 =	rddreg [dreg:$0x1];
	p0 =	sne.s32 s2, $0x0  }
0x7a: {  	s3 =	rddreg [dreg:$0x2];
	[bflag:$0x3] =	sbarrier.arrive $0xFFFF;
	s2 =	simm.s32 @!p0 $0x1C05  }
0x7b: {  	[timem:s3], [sflag:s2] =	dma.local @!p0 [hbm:s0], s1  }
0x7c: {  	s0 =	simm.s32 @!p0 $0x5  }
0x7d: {  	_ =	swait.ge @!p0 [sflag:s0], s1  }
0x7e: {  	s1 =	ssub.s32 @!p0 $0x0, s1;
	[sflag:s0] =	ssyncset.done @!p0 $0x0  }
0x7f: {  	[sflag:s0] =	ssyncadd.s32 @!p0 s1  }
0x80: {  	[bflag:$0x3] =	sbarrier.arrive $0xFFFF  }
0x81: {  	_ =	shalt  }

</sc_bundles>
